<compile_context>
chip_gen: v7x
topology: tpu7x:2x2x1
jax: 0.10.2.dev20260603
libtpu: 0.0.44.dev20260713+nightly
codegen_flags: <defaults>
</compile_context>

<pallas_src>
import functools

import jax
import jax.numpy as jnp
from jax import lax
from jax.experimental import pallas as pl
from jax.experimental.pallas import tpu as pltpu
from jax.experimental.pallas import tpu_sc as plsc

BATCH = 16384
INPUT_DIM = 39
N_CAT = 26
VOCAB = 100000
EMB = 16
N_CONT = INPUT_DIM - N_CAT
OUT_D = N_CAT * EMB + N_CONT

NC, NS = 2, 16
NW = NC * NS
CB = BATCH // NW
SUB = 128
NSUB = CB // SUB


def _body(w_hbm, idx_hbm, cont_hbm, out_hbm, idx_v, rows_v, cont_v, sem):
    wid = lax.axis_index("s") * NC + lax.axis_index("c")
    base = wid * CB

    pltpu.sync_copy(idx_hbm.at[wid], idx_v)

    pltpu.sync_copy(cont_hbm.at[pl.ds(base, CB)], cont_v)
    pltpu.sync_copy(cont_v, out_hbm.at[pl.ds(base, CB), pl.ds(N_CAT * EMB, N_CONT)])

    def feat(f, carry):
        descs = [
            pltpu.async_copy(
                w_hbm.at[idx_v.at[f, c]], rows_v.at[pl.ds(c * SUB, SUB)], sem
            )
            for c in range(NSUB)
        ]
        for d in descs:
            d.wait()
        pltpu.sync_copy(rows_v, out_hbm.at[pl.ds(base, CB), pl.ds(f * EMB, EMB)])
        return carry

    lax.fori_loop(0, N_CAT, feat, 0)


_emb_kernel = functools.partial(
    pl.kernel,
    out_type=jax.ShapeDtypeStruct((BATCH, OUT_D), jnp.float32),
    mesh=plsc.VectorSubcoreMesh(core_axis_name="c", subcore_axis_name="s"),
    compiler_params=pltpu.CompilerParams(use_tc_tiling_on_sc=False),
    scratch_types=[
        pltpu.VMEM((N_CAT, NSUB, SUB), jnp.int32),
        pltpu.VMEM((CB, EMB), jnp.float32),
        pltpu.VMEM((CB, N_CONT), jnp.float32),
        pltpu.SemaphoreType.DMA,
    ],
)(_body)


def kernel(x, W):
    offs = (jnp.arange(N_CAT, dtype=jnp.int32) * VOCAB)[:, None]
    xoff = x[:, :N_CAT].T + offs
    idx = xoff.reshape(N_CAT, NW, NSUB, SUB).transpose(1, 0, 2, 3)
    cont = x[:, N_CAT:].astype(jnp.float32)
    w_flat = W.reshape(N_CAT * VOCAB, EMB)
    return _emb_kernel(w_flat, idx, cont)

# --- scband reference (transcript-rebuilt; emitter-appended) ---
"""Pipeline reference for scband-embedding-generator-23785528885389 (READ-ONLY COPY).

The authoritative reference and input builder live on the scoring server;
editing this copy changes nothing except your own understanding.
"""

import jax, jax.numpy as jnp
import numpy as np

BATCH = 16384
INPUT_DIM = 39
N_CAT = 26
VOCAB = 100000
EMB = 16


def setup_inputs(seed: int = 0) -> dict:
    key = jax.random.key(seed)
    k1, k2 = jax.random.split(key)
    # x holds categorical indices in columns 0..25 and (integer-valued) continuous
    # features in columns 26..38; all values in [0, VOCAB).
    x = jax.random.randint(k1, (BATCH, INPUT_DIM), 0, VOCAB, dtype=jnp.int32)
    # 26 embedding tables, each (VOCAB, EMB), stacked. nn.Embedding default init is N(0,1).
    W = jax.random.normal(k2, (N_CAT, VOCAB, EMB), dtype=jnp.float32)
    return {"x": x, "W": W}


def reference(x, W):
    # Faithful translation of EmbeddingGenerator.forward:
    # continuous_idx is False for feats 0..25 (categorical), True for 26..38.
    cols = []
    for feat in range(INPUT_DIM):
        if feat < N_CAT:
            # embedding lookup (gather) for categorical feature
            cols.append(jnp.take(W[feat], x[:, feat], axis=0))
        else:
            # continuous feature passed through as float column
            cols.append(x[:, feat].astype(jnp.float32)[:, None])
    post_embeddings = jnp.concatenate(cols, axis=1)  # (BATCH, 429)
    return post_embeddings

if __name__ == "__main__":
    import jax
    _d = setup_inputs()
    print(jax.jit(kernel)(*tuple(_d.values())))

</pallas_src>

<mosaic_0001>
#map = affine_map<(d0, d1) -> (0, 0)>
#map1 = affine_map<(d0, d1) -> (0, 0, 0, 0)>
module attributes {stable_mosaic.version = 14 : i64} {
  func.func @_body(%arg0: i32, %arg1: i32, %arg2: memref<2600000x16xf32, #tpu.memory_space<hbm>>, %arg3: memref<32x26x4x128xi32, #tpu.memory_space<hbm>>, %arg4: memref<16384x13xf32, #tpu.memory_space<hbm>>, %arg5: memref<16384x429xf32, #tpu.memory_space<hbm>>, %arg6: memref<26x4x128xi32, #tpu.memory_space<vmem>>, %arg7: memref<512x16xf32, #tpu.memory_space<vmem>>, %arg8: memref<512x13xf32, #tpu.memory_space<vmem>>, %arg9: memref<!tpu.dma_semaphore, #tpu.memory_space<semaphore_mem>>) attributes {dimension_semantics = [#tpu.dimension_semantics<core_parallel>, #tpu.dimension_semantics<subcore_parallel>], iteration_bounds = array<i64: 2, 16>, scalar_prefetch = 0 : i64, scratch_operands = 4 : i64, tpu.core_type = #tpu.core_type<sc_vector_subcore>, window_params = [{transform_indices = #map}, {transform_indices = #map1}, {transform_indices = #map}, {transform_indices = #map}]} {
    %mul3A = arith.constant 2 : i32
    %mul3A_0 = arith.muli %arg1, %mul3A : i32
    %add3A = arith.addi %mul3A_0, %arg0 : i32
    %mul3A_1 = arith.constant 512 : i32
    %mul3A_2 = arith.muli %add3A, %mul3A_1 : i32
    "tpu.region"() ({
      %run_scoped3A = tpu.sem_alloc : memref<!tpu.dma_semaphore, #tpu.memory_space<semaphore_mem>>
      %dma_start3A = arith.constant 0 : i32
      %dma_start3A_8 = arith.constant 0 : i32
      %dma_start3A_9 = arith.constant 0 : i32
      %dma_start3A_10 = tpu.memref_slice %arg3[%add3A, %dma_start3A, %dma_start3A_8, %dma_start3A_9] : memref<32x26x4x128xi32, #tpu.memory_space<hbm>> -> memref<1x26x4x128xi32, #tpu.memory_space<hbm>>
      %dma_start3A_11 = tpu.memref_squeeze %dma_start3A_10 : memref<1x26x4x128xi32, #tpu.memory_space<hbm>> -> memref<26x4x128xi32, #tpu.memory_space<hbm>>
      %dma_start3A_12 = arith.constant 0 : i32
      %dma_start3A_13 = arith.constant 0 : i32
      %dma_start3A_14 = arith.constant 0 : i32
      %dma_start3A_15 = tpu.memref_slice %arg3[%add3A, %dma_start3A_12, %dma_start3A_13, %dma_start3A_14] : memref<32x26x4x128xi32, #tpu.memory_space<hbm>> -> memref<1x26x4x128xi32, #tpu.memory_space<hbm>>
      %dma_start3A_16 = tpu.memref_squeeze %dma_start3A_15 : memref<1x26x4x128xi32, #tpu.memory_space<hbm>> -> memref<26x4x128xi32, #tpu.memory_space<hbm>>
      tpu.enqueue_dma source(%dma_start3A_16 : memref<26x4x128xi32, #tpu.memory_space<hbm>>) target(%arg6 : memref<26x4x128xi32, #tpu.memory_space<vmem>>) target_semaphore(%run_scoped3A : memref<!tpu.dma_semaphore, #tpu.memory_space<semaphore_mem>>)
      %dma_wait3A = arith.constant 0 : i32
      %dma_wait3A_17 = arith.constant 0 : i32
      %dma_wait3A_18 = arith.constant 0 : i32
      %dma_wait3A_19 = tpu.memref_slice %arg3[%add3A, %dma_wait3A, %dma_wait3A_17, %dma_wait3A_18] : memref<32x26x4x128xi32, #tpu.memory_space<hbm>> -> memref<1x26x4x128xi32, #tpu.memory_space<hbm>>
      %dma_wait3A_20 = tpu.memref_squeeze %dma_wait3A_19 : memref<1x26x4x128xi32, #tpu.memory_space<hbm>> -> memref<26x4x128xi32, #tpu.memory_space<hbm>>
      %dma_wait3A_21 = arith.constant 0 : i32
      %dma_wait3A_22 = arith.constant 0 : i32
      %dma_wait3A_23 = arith.constant 0 : i32
      %dma_wait3A_24 = tpu.memref_slice %arg3[%add3A, %dma_wait3A_21, %dma_wait3A_22, %dma_wait3A_23] : memref<32x26x4x128xi32, #tpu.memory_space<hbm>> -> memref<1x26x4x128xi32, #tpu.memory_space<hbm>>
      %dma_wait3A_25 = tpu.memref_squeeze %dma_wait3A_24 : memref<1x26x4x128xi32, #tpu.memory_space<hbm>> -> memref<26x4x128xi32, #tpu.memory_space<hbm>>
      tpu.wait_dma2 semaphore(%run_scoped3A : memref<!tpu.dma_semaphore, #tpu.memory_space<semaphore_mem>>) src(%dma_wait3A_25 : memref<26x4x128xi32, #tpu.memory_space<hbm>>) dst(%arg6 : memref<26x4x128xi32, #tpu.memory_space<vmem>>)
      tpu.yield
    }) : () -> ()
    "tpu.region"() ({
      %run_scoped3A = tpu.sem_alloc : memref<!tpu.dma_semaphore, #tpu.memory_space<semaphore_mem>>
      %dma_start3A = arith.constant 0 : i32
      %dma_start3A_8 = tpu.memref_slice %arg4[%mul3A_2, %dma_start3A] : memref<16384x13xf32, #tpu.memory_space<hbm>> -> memref<512x13xf32, #tpu.memory_space<hbm>>
      %dma_start3A_9 = arith.constant 0 : i32
      %dma_start3A_10 = tpu.memref_slice %arg4[%mul3A_2, %dma_start3A_9] : memref<16384x13xf32, #tpu.memory_space<hbm>> -> memref<512x13xf32, #tpu.memory_space<hbm>>
      tpu.enqueue_dma source(%dma_start3A_10 : memref<512x13xf32, #tpu.memory_space<hbm>>) target(%arg8 : memref<512x13xf32, #tpu.memory_space<vmem>>) target_semaphore(%run_scoped3A : memref<!tpu.dma_semaphore, #tpu.memory_space<semaphore_mem>>)
      %dma_wait3A = arith.constant 0 : i32
      %dma_wait3A_11 = tpu.memref_slice %arg4[%mul3A_2, %dma_wait3A] : memref<16384x13xf32, #tpu.memory_space<hbm>> -> memref<512x13xf32, #tpu.memory_space<hbm>>
      %dma_wait3A_12 = arith.constant 0 : i32
      %dma_wait3A_13 = tpu.memref_slice %arg4[%mul3A_2, %dma_wait3A_12] : memref<16384x13xf32, #tpu.memory_space<hbm>> -> memref<512x13xf32, #tpu.memory_space<hbm>>
      tpu.wait_dma2 semaphore(%run_scoped3A : memref<!tpu.dma_semaphore, #tpu.memory_space<semaphore_mem>>) src(%dma_wait3A_13 : memref<512x13xf32, #tpu.memory_space<hbm>>) dst(%arg8 : memref<512x13xf32, #tpu.memory_space<vmem>>)
      tpu.yield
    }) : () -> ()
    "tpu.region"() ({
      %run_scoped3A = tpu.sem_alloc : memref<!tpu.dma_semaphore, #tpu.memory_space<semaphore_mem>>
      %dma_start3A = arith.constant 416 : i32
      %dma_start3A_8 = tpu.memref_slice %arg5[%mul3A_2, %dma_start3A] : memref<16384x429xf32, #tpu.memory_space<hbm>> -> memref<512x13xf32, #tpu.memory_space<hbm>>
      %dma_start3A_9 = arith.constant 416 : i32
      %dma_start3A_10 = tpu.memref_slice %arg5[%mul3A_2, %dma_start3A_9] : memref<16384x429xf32, #tpu.memory_space<hbm>> -> memref<512x13xf32, #tpu.memory_space<hbm>>
      tpu.enqueue_dma source(%arg8 : memref<512x13xf32, #tpu.memory_space<vmem>>) target(%dma_start3A_10 : memref<512x13xf32, #tpu.memory_space<hbm>>) target_semaphore(%run_scoped3A : memref<!tpu.dma_semaphore, #tpu.memory_space<semaphore_mem>>)
      %dma_wait3A = arith.constant 416 : i32
      %dma_wait3A_11 = tpu.memref_slice %arg5[%mul3A_2, %dma_wait3A] : memref<16384x429xf32, #tpu.memory_space<hbm>> -> memref<512x13xf32, #tpu.memory_space<hbm>>
      %dma_wait3A_12 = arith.constant 416 : i32
      %dma_wait3A_13 = tpu.memref_slice %arg5[%mul3A_2, %dma_wait3A_12] : memref<16384x429xf32, #tpu.memory_space<hbm>> -> memref<512x13xf32, #tpu.memory_space<hbm>>
      tpu.wait_dma2 semaphore(%run_scoped3A : memref<!tpu.dma_semaphore, #tpu.memory_space<semaphore_mem>>) src(%arg8 : memref<512x13xf32, #tpu.memory_space<vmem>>) dst(%dma_wait3A_13 : memref<512x13xf32, #tpu.memory_space<hbm>>)
      tpu.yield
    }) : () -> ()
    %scan3A = arith.constant 0 : i32
    %scan3A_3 = arith.constant 0 : i32
    %scan3A_4 = arith.constant 26 : i32
    %scan3A_5 = arith.addi %scan3A_3, %scan3A_4 : i32
    %scan3A_6 = arith.constant 1 : i32
    scf.for %scan3A_8 = %scan3A_3 to %scan3A_5 step %scan3A_6  : i32 {
      %dma_start3A = arith.constant 0 : i32
      %dma_start3A_9 = arith.constant 0 : i32
      %dma_start3A_10 = arith.constant 0 : i32
      %dma_start3A_11 = tpu.memref_slice %arg7[%dma_start3A_9, %dma_start3A_10] : memref<512x16xf32, #tpu.memory_space<vmem>> -> memref<128x16xf32, #tpu.memory_space<vmem>>
      %dma_start3A_12 = arith.constant 0 : i32
      %dma_start3A_13 = tpu.memref_slice %arg6[%scan3A_8, %dma_start3A, %dma_start3A_12] : memref<26x4x128xi32, #tpu.memory_space<vmem>> -> memref<1x1x128xi32, #tpu.memory_space<vmem>>
      %dma_start3A_14 = tpu.memref_squeeze %dma_start3A_13 : memref<1x1x128xi32, #tpu.memory_space<vmem>> -> memref<128xi32, #tpu.memory_space<vmem>>
      %dma_start3A_15 = arith.constant 0 : i32
      %dma_start3A_16 = arith.constant 0 : i32
      %dma_start3A_17 = tpu.memref_slice %arg2[%dma_start3A_15, %dma_start3A_16] : memref<2600000x16xf32, #tpu.memory_space<hbm>> -> memref<2600000x16xf32, #tpu.memory_space<hbm>>
      tpu.enqueue_indirect_dma source(%dma_start3A_17 : memref<2600000x16xf32, #tpu.memory_space<hbm>>) target(%dma_start3A_11 : memref<128x16xf32, #tpu.memory_space<vmem>>) offsets(%dma_start3A_14 : memref<128xi32, #tpu.memory_space<vmem>>) semaphore(%arg9 : memref<!tpu.dma_semaphore, #tpu.memory_space<semaphore_mem>>)
      %dma_start3A_18 = arith.constant 1 : i32
      %dma_start3A_19 = arith.constant 128 : i32
      %dma_start3A_20 = arith.constant 0 : i32
      %dma_start3A_21 = tpu.memref_slice %arg7[%dma_start3A_19, %dma_start3A_20] : memref<512x16xf32, #tpu.memory_space<vmem>> -> memref<128x16xf32, #tpu.memory_space<vmem>>
      %dma_start3A_22 = arith.constant 0 : i32
      %dma_start3A_23 = tpu.memref_slice %arg6[%scan3A_8, %dma_start3A_18, %dma_start3A_22] : memref<26x4x128xi32, #tpu.memory_space<vmem>> -> memref<1x1x128xi32, #tpu.memory_space<vmem>>
      %dma_start3A_24 = tpu.memref_squeeze %dma_start3A_23 : memref<1x1x128xi32, #tpu.memory_space<vmem>> -> memref<128xi32, #tpu.memory_space<vmem>>
      %dma_start3A_25 = arith.constant 0 : i32
      %dma_start3A_26 = arith.constant 0 : i32
      %dma_start3A_27 = tpu.memref_slice %arg2[%dma_start3A_25, %dma_start3A_26] : memref<2600000x16xf32, #tpu.memory_space<hbm>> -> memref<2600000x16xf32, #tpu.memory_space<hbm>>
      tpu.enqueue_indirect_dma source(%dma_start3A_27 : memref<2600000x16xf32, #tpu.memory_space<hbm>>) target(%dma_start3A_21 : memref<128x16xf32, #tpu.memory_space<vmem>>) offsets(%dma_start3A_24 : memref<128xi32, #tpu.memory_space<vmem>>) semaphore(%arg9 : memref<!tpu.dma_semaphore, #tpu.memory_space<semaphore_mem>>)
      %dma_start3A_28 = arith.constant 2 : i32
      %dma_start3A_29 = arith.constant 256 : i32
      %dma_start3A_30 = arith.constant 0 : i32
      %dma_start3A_31 = tpu.memref_slice %arg7[%dma_start3A_29, %dma_start3A_30] : memref<512x16xf32, #tpu.memory_space<vmem>> -> memref<128x16xf32, #tpu.memory_space<vmem>>
      %dma_start3A_32 = arith.constant 0 : i32
      %dma_start3A_33 = tpu.memref_slice %arg6[%scan3A_8, %dma_start3A_28, %dma_start3A_32] : memref<26x4x128xi32, #tpu.memory_space<vmem>> -> memref<1x1x128xi32, #tpu.memory_space<vmem>>
      %dma_start3A_34 = tpu.memref_squeeze %dma_start3A_33 : memref<1x1x128xi32, #tpu.memory_space<vmem>> -> memref<128xi32, #tpu.memory_space<vmem>>
      %dma_start3A_35 = arith.constant 0 : i32
      %dma_start3A_36 = arith.constant 0 : i32
      %dma_start3A_37 = tpu.memref_slice %arg2[%dma_start3A_35, %dma_start3A_36] : memref<2600000x16xf32, #tpu.memory_space<hbm>> -> memref<2600000x16xf32, #tpu.memory_space<hbm>>
      tpu.enqueue_indirect_dma source(%dma_start3A_37 : memref<2600000x16xf32, #tpu.memory_space<hbm>>) target(%dma_start3A_31 : memref<128x16xf32, #tpu.memory_space<vmem>>) offsets(%dma_start3A_34 : memref<128xi32, #tpu.memory_space<vmem>>) semaphore(%arg9 : memref<!tpu.dma_semaphore, #tpu.memory_space<semaphore_mem>>)
      %dma_start3A_38 = arith.constant 3 : i32
      %dma_start3A_39 = arith.constant 384 : i32
      %dma_start3A_40 = arith.constant 0 : i32
      %dma_start3A_41 = tpu.memref_slice %arg7[%dma_start3A_39, %dma_start3A_40] : memref<512x16xf32, #tpu.memory_space<vmem>> -> memref<128x16xf32, #tpu.memory_space<vmem>>
      %dma_start3A_42 = arith.constant 0 : i32
      %dma_start3A_43 = tpu.memref_slice %arg6[%scan3A_8, %dma_start3A_38, %dma_start3A_42] : memref<26x4x128xi32, #tpu.memory_space<vmem>> -> memref<1x1x128xi32, #tpu.memory_space<vmem>>
      %dma_start3A_44 = tpu.memref_squeeze %dma_start3A_43 : memref<1x1x128xi32, #tpu.memory_space<vmem>> -> memref<128xi32, #tpu.memory_space<vmem>>
      %dma_start3A_45 = arith.constant 0 : i32
      %dma_start3A_46 = arith.constant 0 : i32
      %dma_start3A_47 = tpu.memref_slice %arg2[%dma_start3A_45, %dma_start3A_46] : memref<2600000x16xf32, #tpu.memory_space<hbm>> -> memref<2600000x16xf32, #tpu.memory_space<hbm>>
      tpu.enqueue_indirect_dma source(%dma_start3A_47 : memref<2600000x16xf32, #tpu.memory_space<hbm>>) target(%dma_start3A_41 : memref<128x16xf32, #tpu.memory_space<vmem>>) offsets(%dma_start3A_44 : memref<128xi32, #tpu.memory_space<vmem>>) semaphore(%arg9 : memref<!tpu.dma_semaphore, #tpu.memory_space<semaphore_mem>>)
      %dma_wait3A = arith.constant 0 : i32
      %dma_wait3A_48 = arith.constant 0 : i32
      %dma_wait3A_49 = arith.constant 0 : i32
      %dma_wait3A_50 = tpu.memref_slice %arg7[%dma_wait3A_48, %dma_wait3A_49] : memref<512x16xf32, #tpu.memory_space<vmem>> -> memref<128x16xf32, #tpu.memory_space<vmem>>
      %dma_wait3A_51 = arith.constant 0 : i32
      %dma_wait3A_52 = tpu.memref_slice %arg6[%scan3A_8, %dma_wait3A, %dma_wait3A_51] : memref<26x4x128xi32, #tpu.memory_space<vmem>> -> memref<1x1x128xi32, #tpu.memory_space<vmem>>
      %dma_wait3A_53 = tpu.memref_squeeze %dma_wait3A_52 : memref<1x1x128xi32, #tpu.memory_space<vmem>> -> memref<128xi32, #tpu.memory_space<vmem>>
      %dma_wait3A_54 = arith.constant 0 : i32
      %dma_wait3A_55 = arith.constant 0 : i32
      %dma_wait3A_56 = tpu.memref_slice %arg2[%dma_wait3A_54, %dma_wait3A_55] : memref<2600000x16xf32, #tpu.memory_space<hbm>> -> memref<2600000x16xf32, #tpu.memory_space<hbm>>
      tpu.wait_indirect_dma semaphore(%arg9 : memref<!tpu.dma_semaphore, #tpu.memory_space<semaphore_mem>>) src(%dma_wait3A_56 : memref<2600000x16xf32, #tpu.memory_space<hbm>>) dst(%dma_wait3A_50 : memref<128x16xf32, #tpu.memory_space<vmem>>)
      %dma_wait3A_57 = arith.constant 1 : i32
      %dma_wait3A_58 = arith.constant 128 : i32
      %dma_wait3A_59 = arith.constant 0 : i32
      %dma_wait3A_60 = tpu.memref_slice %arg7[%dma_wait3A_58, %dma_wait3A_59] : memref<512x16xf32, #tpu.memory_space<vmem>> -> memref<128x16xf32, #tpu.memory_space<vmem>>
      %dma_wait3A_61 = arith.constant 0 : i32
      %dma_wait3A_62 = tpu.memref_slice %arg6[%scan3A_8, %dma_wait3A_57, %dma_wait3A_61] : memref<26x4x128xi32, #tpu.memory_space<vmem>> -> memref<1x1x128xi32, #tpu.memory_space<vmem>>
      %dma_wait3A_63 = tpu.memref_squeeze %dma_wait3A_62 : memref<1x1x128xi32, #tpu.memory_space<vmem>> -> memref<128xi32, #tpu.memory_space<vmem>>
      %dma_wait3A_64 = arith.constant 0 : i32
      %dma_wait3A_65 = arith.constant 0 : i32
      %dma_wait3A_66 = tpu.memref_slice %arg2[%dma_wait3A_64, %dma_wait3A_65] : memref<2600000x16xf32, #tpu.memory_space<hbm>> -> memref<2600000x16xf32, #tpu.memory_space<hbm>>
      tpu.wait_indirect_dma semaphore(%arg9 : memref<!tpu.dma_semaphore, #tpu.memory_space<semaphore_mem>>) src(%dma_wait3A_66 : memref<2600000x16xf32, #tpu.memory_space<hbm>>) dst(%dma_wait3A_60 : memref<128x16xf32, #tpu.memory_space<vmem>>)
      %dma_wait3A_67 = arith.constant 2 : i32
      %dma_wait3A_68 = arith.constant 256 : i32
      %dma_wait3A_69 = arith.constant 0 : i32
      %dma_wait3A_70 = tpu.memref_slice %arg7[%dma_wait3A_68, %dma_wait3A_69] : memref<512x16xf32, #tpu.memory_space<vmem>> -> memref<128x16xf32, #tpu.memory_space<vmem>>
      %dma_wait3A_71 = arith.constant 0 : i32
      %dma_wait3A_72 = tpu.memref_slice %arg6[%scan3A_8, %dma_wait3A_67, %dma_wait3A_71] : memref<26x4x128xi32, #tpu.memory_space<vmem>> -> memref<1x1x128xi32, #tpu.memory_space<vmem>>
      %dma_wait3A_73 = tpu.memref_squeeze %dma_wait3A_72 : memref<1x1x128xi32, #tpu.memory_space<vmem>> -> memref<128xi32, #tpu.memory_space<vmem>>
      %dma_wait3A_74 = arith.constant 0 : i32
      %dma_wait3A_75 = arith.constant 0 : i32
      %dma_wait3A_76 = tpu.memref_slice %arg2[%dma_wait3A_74, %dma_wait3A_75] : memref<2600000x16xf32, #tpu.memory_space<hbm>> -> memref<2600000x16xf32, #tpu.memory_space<hbm>>
      tpu.wait_indirect_dma semaphore(%arg9 : memref<!tpu.dma_semaphore, #tpu.memory_space<semaphore_mem>>) src(%dma_wait3A_76 : memref<2600000x16xf32, #tpu.memory_space<hbm>>) dst(%dma_wait3A_70 : memref<128x16xf32, #tpu.memory_space<vmem>>)
      %dma_wait3A_77 = arith.constant 3 : i32
      %dma_wait3A_78 = arith.constant 384 : i32
      %dma_wait3A_79 = arith.constant 0 : i32
      %dma_wait3A_80 = tpu.memref_slice %arg7[%dma_wait3A_78, %dma_wait3A_79] : memref<512x16xf32, #tpu.memory_space<vmem>> -> memref<128x16xf32, #tpu.memory_space<vmem>>
      %dma_wait3A_81 = arith.constant 0 : i32
      %dma_wait3A_82 = tpu.memref_slice %arg6[%scan3A_8, %dma_wait3A_77, %dma_wait3A_81] : memref<26x4x128xi32, #tpu.memory_space<vmem>> -> memref<1x1x128xi32, #tpu.memory_space<vmem>>
      %dma_wait3A_83 = tpu.memref_squeeze %dma_wait3A_82 : memref<1x1x128xi32, #tpu.memory_space<vmem>> -> memref<128xi32, #tpu.memory_space<vmem>>
      %dma_wait3A_84 = arith.constant 0 : i32
      %dma_wait3A_85 = arith.constant 0 : i32
      %dma_wait3A_86 = tpu.memref_slice %arg2[%dma_wait3A_84, %dma_wait3A_85] : memref<2600000x16xf32, #tpu.memory_space<hbm>> -> memref<2600000x16xf32, #tpu.memory_space<hbm>>
      tpu.wait_indirect_dma semaphore(%arg9 : memref<!tpu.dma_semaphore, #tpu.memory_space<semaphore_mem>>) src(%dma_wait3A_86 : memref<2600000x16xf32, #tpu.memory_space<hbm>>) dst(%dma_wait3A_80 : memref<128x16xf32, #tpu.memory_space<vmem>>)
      %mul3A_87 = arith.constant 16 : i32
      %mul3A_88 = arith.muli %scan3A_8, %mul3A_87 : i32
      "tpu.region"() ({
        %run_scoped3A = tpu.sem_alloc : memref<!tpu.dma_semaphore, #tpu.memory_space<semaphore_mem>>
        %dma_start3A_89 = tpu.memref_slice %arg5[%mul3A_2, %mul3A_88] : memref<16384x429xf32, #tpu.memory_space<hbm>> -> memref<512x16xf32, #tpu.memory_space<hbm>>
        %dma_start3A_90 = tpu.memref_slice %arg5[%mul3A_2, %mul3A_88] : memref<16384x429xf32, #tpu.memory_space<hbm>> -> memref<512x16xf32, #tpu.memory_space<hbm>>
        tpu.enqueue_dma source(%arg7 : memref<512x16xf32, #tpu.memory_space<vmem>>) target(%dma_start3A_90 : memref<512x16xf32, #tpu.memory_space<hbm>>) target_semaphore(%run_scoped3A : memref<!tpu.dma_semaphore, #tpu.memory_space<semaphore_mem>>)
        %dma_wait3A_91 = tpu.memref_slice %arg5[%mul3A_2, %mul3A_88] : memref<16384x429xf32, #tpu.memory_space<hbm>> -> memref<512x16xf32, #tpu.memory_space<hbm>>
        %dma_wait3A_92 = tpu.memref_slice %arg5[%mul3A_2, %mul3A_88] : memref<16384x429xf32, #tpu.memory_space<hbm>> -> memref<512x16xf32, #tpu.memory_space<hbm>>
        tpu.wait_dma2 semaphore(%run_scoped3A : memref<!tpu.dma_semaphore, #tpu.memory_space<semaphore_mem>>) src(%arg7 : memref<512x16xf32, #tpu.memory_space<vmem>>) dst(%dma_wait3A_92 : memref<512x16xf32, #tpu.memory_space<hbm>>)
        tpu.yield
      }) : () -> ()
    }
    %scan3A_7 = arith.constant 26 : i32
    return
  }
}

</mosaic_0001>

<sc_bundles>
// kernel: kernel.3.cloned.1.call-start
scs
__scs_entry_jumppad:
0x0: {  	(pc) =	sbr.rel $0x88, $3  }
0x1: {  	(tag) =	ssettag $0x0;
	lr =	simm.s32 $0x1  }
0x2: {  	[smem:$0x3F9F] =	sst lr;
	_ =	strace $0xD0000000  }
0x3: {  	_ = 	snop  }
0x4: {  	_ = 	snop  }
0x5: {  	_ = 	snop  }
0x6: {  	_ = 	snop  }
0x7: {  	_ = 	snop  }
__scs_overlays_trampoline_lowered:
0x8: {  	[smem:$0x3FAE] =	sst s0  }
0x9: {  	[smem:$0x3FAF] =	sst s1  }
0xa: {  	[smem:$0x3FB0] =	sst s2  }
0xb: {  	[smem:$0x3FB1] =	sst s3  }
0xc: {  	[smem:$0x3FB2] =	sst s4  }
0xd: {  	[smem:$0x3FB3] =	sst s5  }
0xe: {  	[smem:$0x3FB4] =	sst s6  }
0xf: {  	[smem:$0x3FB5] =	sst s7  }
0x10: {  	[smem:$0x3FB6] =	sst s8  }
0x11: {  	[smem:$0x3FB7] =	sst s9;
	s0 =	simm.s32 @!p0 $0x0  }
0x12: {  	s1 =	sld [smem:$0x3F9D];
	s0 =	simm.s32 @p0 $0x1  }
0x13: {  	[smem:$0x3FB8] =	sst s0;
	s0 =	simm.s32 @!p1 $0x0  }
0x14: {  	s2 =	sld [smem:$0x3F9C];
	s0 =	simm.s32 @p1 $0x1  }
0x15: {  	[smem:$0x3FB9] =	sst s0;
	s0 =	simm.s32 @!p2 $0x0  }
0x16: {  	s3 =	sld [smem:$0x3FDB];
	s0 =	simm.s32 @p2 $0x1  }
0x17: {  	s4 =	simm.s32 $0x1BF5;
	[smem:$0x3FBB] =	sst s0  }
0x18: {  	s0 =	sld [smem:$0x3F9E];
	_ =	swait.ge [sflag:s4], $0x0  }
0x19: {  	s7 =	sld [smem:$0x3F9F]  }
0x1a: {  	s8 =	sadd.s32 $0xFFFFE003, lr  }
0x1b: {  	s9 =	sadd.s32 $0xFFFFFEF7, lr;
	s5 =	simm.s32 $0xFFFFFFFF;
	p2 =	slt.u32 s8, $0xFFFFF086  }
0x1c: {  	p1 =	slt.u32 s9, $0xF7A;
	s5 =	simm.s32 @!p2 $0x0  }
0x1d: {  	s5 =	simm.s32 @p1 $0x1;
	p0 =	seq.s32 s7, s2  }
0x1e: {  	s7 =	smul.u32 @!p0 $0xF7A, s2;
	p2 =	seq.s32 @!p0 s5, $0x0  }
0x1f: {  	s9 =	smul.u32 $0xF7A, s1;
	s8 =	simm.s32 @!p0 $0x1BF5;
	p2 =	por !p2, p0  }
0x20: {  	[sflag:s8] =	ssyncset.s32 @!p0 $0xFFFFF086;
	s6 =	sadd.s32 @!p0 s3, s7;
	s7 =	simm.s32 @!p0 $0x108  }
0x21: {  	s3 =	sadd.s32 s3, s9;
	s6 =	sadd.s32 @!p0 $0x88, s6;
	s7 =	simm.s32 @p2 $0x1082  }
0x22: {  	[simem:s7], [sflag:s8] =	dma.local @!p0 [hbm:s6], $0xF7A  }
0x23: {  	s9 =	sor.u32 $0xD0000000, s2;
	s6 =	simm.s32 $0x108;
	_ =	swait.ge @!p0 [sflag:s8], $0x0  }
0x24: {  	s3 =	sadd.s32 $0x88, s3;
	s6 =	simm.s32 @!p1 $0x1082;
	[sflag:s4] =	ssyncset.s32 $0xFFFFF086  }
0x25: {  	[simem:s6], [sflag:s4] =	dma.local [hbm:s3], $0xF7A  }
0x26: {  	[smem:$0x3F9F] =	sst s1;
	(tag) =	ssettag s2;
	_ =	strace s9  }
0x27: {  	s1 =	sld [smem:$0x3FAF]  }
0x28: {  	s2 =	sld [smem:$0x3FB0]  }
0x29: {  	s4 =	sld [smem:$0x3FB2]  }
0x2a: {  	p0 =	seq.s32 s5, $0x0;
	s5 =	sld [smem:$0x3FB3]  }
0x2b: {  	s6 =	sld [smem:$0x3FB4]  }
0x2c: {  	s7 =	sld [smem:$0x3FB5]  }
0x2d: {  	s3 =	simm.s32 $0x108;
	s8 =	sld [smem:$0x3FB6]  }
0x2e: {  	s3 =	simm.s32 @!p0 $0x1082;
	s9 =	sld [smem:$0x3FB7]  }
0x2f: {  	lr =	sadd.s32 s0, s3;
	s0 =	sld [smem:$0x3FAE]  }
0x30: {  	s3 =	sld [smem:$0x3FB1]  }
0x31: {  	[smem:$0x3FBA] =	sst s10  }
0x32: {  	s10 =	sld [smem:$0x3FB8];
	_ =	sdelay $0x3  }
0x33: {  	p0 =	seq.s32 s10, $0x1;
	s10 =	sld [smem:$0x3FBA];
	_ =	sdelay $0x3  }
0x34: {  	[smem:$0x3FBA] =	sst s10  }
0x35: {  	s10 =	sld [smem:$0x3FB9];
	_ =	sdelay $0x3  }
0x36: {  	p1 =	seq.s32 s10, $0x1;
	s10 =	sld [smem:$0x3FBA];
	_ =	sdelay $0x3  }
0x37: {  	[smem:$0x3FBA] =	sst s10  }
0x38: {  	s10 =	sld [smem:$0x3FBB]  }
0x39: {  	_ = 	snop;
	(pc) =	sbr.ind lr, $3  }
0x3a: {  	_ = 	snop  }
0x3b: {  	_ = 	snop  }
0x3c: {  	p2 =	seq.s32 s10, $0x1;
	s10 =	sld [smem:$0x3FBA]  }
0x3d: {  	_ =	shalt  }
0x3e: {  	_ =	shalt  }
0x3f: {  	_ =	shalt  }
0x40: {  	_ =	shalt  }
0x41: {  	_ =	shalt  }
0x42: {  	_ =	shalt  }
0x43: {  	_ =	shalt  }
0x44: {  	_ =	shalt  }
0x45: {  	_ =	shalt  }
0x46: {  	_ =	shalt  }
0x47: {  	_ =	shalt  }
0x48: {  	_ =	shalt  }
0x49: {  	_ =	shalt  }
0x4a: {  	_ =	shalt  }
0x4b: {  	_ =	shalt  }
0x4c: {  	_ =	shalt  }
0x4d: {  	_ =	shalt  }
0x4e: {  	_ =	shalt  }
0x4f: {  	_ =	shalt  }
0x50: {  	_ =	shalt  }
0x51: {  	_ =	shalt  }
0x52: {  	_ =	shalt  }
0x53: {  	_ =	shalt  }
0x54: {  	_ =	shalt  }
0x55: {  	_ =	shalt  }
0x56: {  	_ =	shalt  }
0x57: {  	_ =	shalt  }
0x58: {  	_ =	shalt  }
0x59: {  	_ =	shalt  }
0x5a: {  	_ =	shalt  }
0x5b: {  	_ =	shalt  }
0x5c: {  	_ =	shalt  }
0x5d: {  	_ =	shalt  }
0x5e: {  	_ =	shalt  }
0x5f: {  	_ =	shalt  }
0x60: {  	_ =	shalt  }
0x61: {  	_ =	shalt  }
0x62: {  	_ =	shalt  }
0x63: {  	_ =	shalt  }
0x64: {  	_ =	shalt  }
0x65: {  	_ =	shalt  }
0x66: {  	_ =	shalt  }
0x67: {  	_ =	shalt  }
0x68: {  	_ =	shalt  }
0x69: {  	_ =	shalt  }
0x6a: {  	_ =	shalt  }
0x6b: {  	_ =	shalt  }
0x6c: {  	_ =	shalt  }
0x6d: {  	_ =	shalt  }
0x6e: {  	_ =	shalt  }
0x6f: {  	_ =	shalt  }
0x70: {  	_ =	shalt  }
0x71: {  	_ =	shalt  }
0x72: {  	_ =	shalt  }
0x73: {  	_ =	shalt  }
0x74: {  	_ =	shalt  }
0x75: {  	_ =	shalt  }
0x76: {  	_ =	shalt  }
0x77: {  	_ =	shalt  }
0x78: {  	_ =	shalt  }
0x79: {  	_ =	shalt  }
0x7a: {  	_ =	shalt  }
0x7b: {  	_ =	shalt  }
0x7c: {  	_ =	shalt  }
0x7d: {  	_ =	shalt  }
0x7e: {  	_ =	shalt  }
0x7f: {  	_ =	shalt  }
0x80: {  	_ =	shalt  }
0x81: {  	_ =	shalt  }
0x82: {  	_ =	shalt  }
0x83: {  	_ =	shalt  }
0x84: {  	_ =	shalt  }
0x85: {  	_ =	shalt  }
0x86: {  	_ =	shalt  }
0x87: {  	_ =	shalt  }
.Lfunc_end0:
.L_simem_size_0:
called_computation_lowered:
.L_overlay_start_0:
0x88: {  	s2 =	sld [smem:$0x3FD9]  }
0x89: {  	s3 =	sld [smem:$0x3FFE];
	_ =	sdelay $0x1  }
0x8a: {  	s1 =	srdreg.scid  }
0x8b: {  	s0 =	sand.u32 $0x1, s1  }
0x8c: {  	s17 =	sshll.u32 s0, $0xA;
	s2 =	sadd.s32 s3, s2  }
0x8d: {  	s2 =	sadd.s32 s2, s17  }
0x8e: {  	[smem:$0x3FC6] =	sst s2  }
0x8f: {  	_ = 	snop  }
0x90: {  	s2 =	sld [smem:$0x3FD0];
	(tm) =	ssettm $0x1  }
0x91: {  	s18 =	sld [smem:$0x3FFB];
	_ =	sdelay $0x3  }
0x92: {  	_ =	strace s18  }
0x93: {  	s3 =	sld [smem:$0x3FFC];
	_ =	sdelay $0x3  }
0x94: {  	_ =	strace s3  }
0x95: {  	s3 =	sld [smem:$0x3FFD];
	_ =	sdelay $0x3  }
0x96: {  	_ =	strace s3  }
0x97: {  	_ =	strace $0x8FFFFFFF  }
0x98: {  	s19 =	sld [smem:$0x3FDB];
	_ =	sdelay $0x1  }
0x99: {  	s4 =	simm.s32 $_scs_section_size  }
0x9a: {  	s5 =	simm.s32 $_size__tile_overlayer_lowered;
	s6 =	simm.s32 $_tile_overlayer_lowered  }
0x9b: {  	s22 =	simm.s32 $0x1BFF;
	s21 =	sshll.u32 s6, $0x1;
	s3 =	sadd.s32 s4, s19  }
0x9c: {  	s7 =	simm.s32 $0x0;
	s20 =	sshll.u32 s5, $0x1;
	s5 =	sadd.s32 s21, s3  }
0x9d: {  	[timem:s7], [sflag:s22] =	dma.local [hbm:s5], s20  }
0x9e: {  	_ =	swait.ge [sflag:s22], s20  }
0x9f: {  	s4 =	ssub.s32 $0x0, s20;
	[sflag:s22] =	ssyncset.done $0x0  }
0xa0: {  	[sflag:s22] =	ssyncadd.s32 s4;
	_ =	sdelay $0x1  }
0xa1: {  	s23 =	simm.s32 $0x1B8B  }
0xa2: {  	_ =	swait.ge [sflag:s23], $0x1  }
0xa3: {  	[sflag:s23] =	ssyncset.done $0x0  }
0xa4: {  	s25 =	simm.s32 $0x1B8E;
	s24 =	sld [smem:$0x3FFE];
	[sflag:s23] =	ssyncadd.s32 $0xFFFFFFFF  }
0xa5: {  	s26 =	simm.s32 $execute0_lowered;
	[smem:$0x3FD2] =	sst s25  }
0xa6: {  	s5 =	sshll.u32 s26, $0x1;
	_ =	strace $0x80000046;
	[dreg:$0x1] =	wrdreg $0xFFFFFFFF  }
0xa7: {  	s28 =	simm.s32 $_size_execute0_lowered;
	s3 =	sadd.s32 s3, s5;
	[dreg:$0x0] =	wrdreg $0x0  }
0xa8: {  	s5 =	sshll.u32 s28, $0x1;
	[dreg:$0x2] =	wrdreg s3  }
0xa9: {  	[dreg:$0x3] =	wrdreg s5  }
0xaa: {  	[dreg:$0x4] =	wrdreg $0xC0  }
0xab: {  	_ =	task [dreg:s7], $0x5FFFF  }
0xac: {  	[dreg:$0x1] =	wrdreg $0xFFFFFFFF  }
0xad: {  	[dreg:$0x0] =	wrdreg $0x60  }
0xae: {  	[dreg:$0x2] =	wrdreg s24  }
0xaf: {  	[dreg:$0x3] =	wrdreg s2  }
0xb0: {  	[dreg:$0x4] =	wrdreg $0x9  }
0xb1: {  	_ =	task.clear_ibuf [dreg:s7], $0x5FFFF;
	_ =	strace $0x90000046  }
0xb2: {  	s29 =	simm.s32 $0x9;
	_ =	strace $0x80000048  }
0xb3: {  	_ =	swait.ge [sflag:s29], $0x1  }
0xb4: {  	[sflag:s29] =	ssyncadd.s32 $0xFFFFFFFF  }
0xb5: {  	_ =	strace $0x90000048  }
0xb6: {  	_ =	sfence  }
0xb7: {  	s30 =	sld [smem:$0x0];
	_ =	sdelay $0x2  }
0xb8: {  	s31 =	sshll.u32 s1, $0xD;
	s1 =	sshrl.u32 s1, $0x2  }
0xb9: {  	s3 =	sand.u32 $0x4000, s31;
	s1 =	sadd.s32 s1, s30  }
0xba: {  	s0 =	sor.u32 s3, s0;
	s1 =	sshll.u32 s1, $0x11  }
0xbb: {  	s0 =	sor.u32 s1, s0  }
0xbc: {  	s0 =	sadd.s32 $0x8F2B, s0  }
0xbd: {  	[sflag:s0] =	ssyncadd.remote.s32 $0x1  }
0xbe: {  	_ =	sfence.sel $0xFFFF  }
0xbf: {  	[dreg:$0x0] =	wrdreg $0xFFFFFFFF;
	(pc) =	sbr.abs _section_cstart, $3  }
0xc0: {  	[dreg:$0x1] =	wrdreg $0xFFFFFFFF  }
0xc1: {  	_ =	task.clear_ibuf [dreg:s7], $0x2FFFF;
	_ =	strace $0x9FFFFFFF  }
0xc2: {  	(tm) =	ssettm $0x7FFFFFFF  }
0xc3: {  	_ =	shalt  }
tec
execute0_lowered:
.L_overlay_start_1:
0x0: {  	(tag) =	ssettag $0x1  }
0x1: {  	s4 =	rddreg [dreg:$0x0]  }
0x2: {  	s8 =	rddreg [dreg:$0x1]  }
0x3: {  	s0 =	rddreg [dreg:$0x2]  }
0x4: {  	s3 =	srdreg.scid;
	s1 =	stileid.u32  }
0x5: {  	s2 =	simm.s32 $0x0;
	s14 =	simm.s32 $0x3400;
	s15 =	simm.s32 $0x3C00  }
0x6: {  	s16 =	simm.s32 $0x4400;
	s17 =	simm.s32 $0x4C00;
	s18 =	simm.s32 $0x1  }
0x7: {  	s5 =	sand.u32 $0x1, s3;
	s28 =	sshll.u32 s1, $0x1;
	s11 =	smul.u32 $0x6C000, s1  }
0x8: {  	s19 =	simm.s32 $0x0;
	s6 =	sor.u32 s5, s28;
	s13 =	smul.u32 $0x36000, s5  }
0x9: {  	[smem:$0x7FF] =	sst s2;
	s3 =	sadd.s32 $0x27ACC00, s4;
	s7 =	smul.u32 $0x680, s6  }
0xa: {  	s10 =	ssub.s32 $0x2, s5;
	s9 =	smul.u32 $0x6C00, s6;
	s6 =	sshll.u32 s6, $0xA  }
0xb: {  	_ =	strace $0x80000047;
	s12 =	sshrl.u32 s10, $0x1;
	s29 =	sadd.s32 s6, s4  }
0xc: {  	s10 =	ssub.s32 s10, s12;
	s31 =	sadd.s32 s13, s11;
	s11 =	simm.s32 $0x10  }
0xd: {  	s12 =	simm.s32 $0x1B0;
	s13 =	simm.s32 $0x80;
	s7 =	sadd.s32 s7, s4  }
0xe: {  	s5 =	sadd.s32 $0x800, s29;
	s30 =	sadd.s32 s9, s8;
	s9 =	sshrl.u32 s31, $0x3  }
0xf: {  	s4 =	sadd.s32 $0x8800, s7;
	s6 =	sadd.s32 $0x34, s30;
	s7 =	smax.u32 s10, $0x1  }
0x10: {  	s8 =	sadd.s32 s9, s8;
	s9 =	simm.s32 $0x2;
	s10 =	simm.s32 $0x5400  }
.LBB2_1:
0x11: {  	[tilespmem:s2], [sflag:$0x2] =	stream.linear.gather [hbm4b:s4+s2], $0x3400, $0x38;
	[tilespmem:$0x7400] =	vst v63  }
0x12: {  	_ =	swait.ge [sflag:s9], $0x3400  }
0x13: {  	[sflag:s9] =	ssyncset.done $0x0  }
0x14: {  	[sflag:s9] =	ssyncadd.s32 $0xFFFFCC00  }
0x15: {  	[tilespmem:s10], [sflag:$0x2] =	stream.linear.gather [hbm4b:s5+s2], $0x2000, $0x38;
	[tilespmem:$0x7400] =	vst v63  }
0x16: {  	_ =	swait.ge [sflag:s9], $0x2000  }
0x17: {  	[sflag:s9] =	ssyncset.done $0x0  }
0x18: {  	[sflag:s9] =	ssyncadd.s32 $0xFFFFE000  }
0x19: {  	[hbm4b:s6+s11] =	stream.strided.scatter [tilespmem:s10], [sflag:$0x2], $0x2000, s12, s11, $0x38;
	[tilespmem:$0x7400] =	vst v63  }
0x1a: {  	_ =	swait.ge [sflag:s9], $0x2000  }
0x1b: {  	[sflag:s9] =	ssyncset.done $0x0  }
0x1c: {  	[sflag:s9] =	ssyncadd.s32 $0xFFFFE000  }
0x1d: {  	[tilespmem:s14], [sflag:$0x1] =	stream.indirect.gather [hbm4b:s3+s13], $0x10, s2, s13, $0xb8;
	[tilespmem:$0x7400] =	vst v63  }
0x1e: {  	s20 =	simm.s32 $0x80  }
0x1f: {  	[tilespmem:s15], [sflag:$0x1] =	stream.indirect.gather [hbm4b:s3+s13], $0x10, s20, s13, $0xb8;
	[tilespmem:$0x7400] =	vst v63  }
0x20: {  	s29 =	simm.s32 $0x100  }
0x21: {  	[tilespmem:s16], [sflag:$0x1] =	stream.indirect.gather [hbm4b:s3+s13], $0x10, s29, s13, $0xb8;
	[tilespmem:$0x7400] =	vst v63  }
0x22: {  	s30 =	simm.s32 $0x180  }
0x23: {  	[tilespmem:s17], [sflag:$0x1] =	stream.indirect.gather [hbm4b:s3+s13], $0x10, s30, s13, $0xb8;
	[tilespmem:$0x7400] =	vst v63  }
0x24: {  	_ =	swait.ge [sflag:s18], $0x800  }
0x25: {  	[sflag:s18] =	ssyncset.done $0x0  }
0x26: {  	[sflag:s18] =	ssyncadd.s32 $0xFFFFF800  }
0x27: {  	_ =	swait.ge [sflag:s18], $0x800  }
0x28: {  	[sflag:s18] =	ssyncset.done $0x0  }
0x29: {  	[sflag:s18] =	ssyncadd.s32 $0xFFFFF800  }
0x2a: {  	_ =	swait.ge [sflag:s18], $0x800  }
0x2b: {  	[sflag:s18] =	ssyncset.done $0x0  }
0x2c: {  	[sflag:s18] =	ssyncadd.s32 $0xFFFFF800  }
0x2d: {  	_ =	swait.ge [sflag:s18], $0x800  }
0x2e: {  	[sflag:s18] =	ssyncset.done $0x0  }
0x2f: {  	s31 =	sadd.s32 $0x0, s8;
	[sflag:s18] =	ssyncadd.s32 $0xFFFFF800  }
0x30: {  	[hbm4b:s31+s11] =	stream.strided.scatter [tilespmem:s14], [sflag:$0x2], $0x2000, s12, s11, $0x38;
	[tilespmem:$0x7400] =	vst v63  }
0x31: {  	_ =	swait.ge [sflag:s9], $0x2000  }
0x32: {  	s21 =	simm.s32 $0x0;
	s20 =	simm.s32 $0x2;
	[sflag:s9] =	ssyncset.done $0x0  }
.LBB2_2:
0x33: {  	p0 =	sne.s32 s20, $0x32;
	[sflag:s9] =	ssyncadd.s32 $0xFFFFE000;
	s21 =	sadd.s32 $0x200, s21  }
0x34: {  	[tilespmem:s14], [sflag:$0x1] =	stream.indirect.gather [hbm4b:s3+s13], $0x10, s21, s13, $0xb8;
	[tilespmem:$0x7400] =	vst v63  }
0x35: {  	s23 =	smov.u32 s20;
	s20 =	sadd.s32 $0x2, s20;
	s22 =	sadd.s32 $0x80, s21  }
0x36: {  	[tilespmem:s15], [sflag:$0x1] =	stream.indirect.gather [hbm4b:s3+s13], $0x10, s22, s13, $0xb8;
	[tilespmem:$0x7400] =	vst v63  }
0x37: {  	s22 =	sadd.s32 $0x100, s21  }
0x38: {  	[tilespmem:s16], [sflag:$0x1] =	stream.indirect.gather [hbm4b:s3+s13], $0x10, s22, s13, $0xb8;
	[tilespmem:$0x7400] =	vst v63  }
0x39: {  	s22 =	sadd.s32 $0x180, s21  }
0x3a: {  	[tilespmem:s17], [sflag:$0x1] =	stream.indirect.gather [hbm4b:s3+s13], $0x10, s22, s13, $0xb8;
	[tilespmem:$0x7400] =	vst v63  }
0x3b: {  	_ =	swait.ge [sflag:s18], $0x800  }
0x3c: {  	[sflag:s18] =	ssyncset.done $0x0  }
0x3d: {  	[sflag:s18] =	ssyncadd.s32 $0xFFFFF800  }
0x3e: {  	_ =	swait.ge [sflag:s18], $0x800  }
0x3f: {  	[sflag:s18] =	ssyncset.done $0x0  }
0x40: {  	[sflag:s18] =	ssyncadd.s32 $0xFFFFF800  }
0x41: {  	_ =	swait.ge [sflag:s18], $0x800  }
0x42: {  	[sflag:s18] =	ssyncset.done $0x0  }
0x43: {  	[sflag:s18] =	ssyncadd.s32 $0xFFFFF800  }
0x44: {  	_ =	swait.ge [sflag:s18], $0x800  }
.Ltmp0:
0x45: {  	[sflag:s18] =	ssyncset.done $0x0;
	(pc) =	sbr.rel @p0 .LBB2_2-.Ltmp0, $4  }
0x46: {  	s22 =	sadd.s32 s23, s8;
	[sflag:s18] =	ssyncadd.s32 $0xFFFFF800  }
0x47: {  	[hbm4b:s22+s11] =	stream.strided.scatter [tilespmem:s14], [sflag:$0x2], $0x2000, s12, s11, $0x38;
	[tilespmem:$0x7400] =	vst v63  }
0x48: {  	_ =	swait.ge [sflag:s9], $0x2000  }
0x49: {  	[sflag:s9] =	ssyncset.done $0x0  }
0x4a: {  	s19 =	sadd.s32 $0x1, s19  }
0x4b: {  	p0 =	sne.s32 s19, s7  }
.Ltmp1:
0x4c: {  	_ = 	snop;
	(pc) =	sbr.rel @p0 .LBB2_1-.Ltmp1, $2  }
0x4d: {  	_ =	sdelay $0x2  }
0x4e: {  	[sflag:s9] =	ssyncadd.s32 $0xFFFFE000  }
0x4f: {  	_ =	sfence.sel $0x180000  }
0x50: {  	[bflag:$0x0] =	sbarrier.arrive $0xFFFF  }
0x51: {  	p0 =	sne.s32 s1, $0x0;
	_ =	strace $0x90000047  }
0x52: {  	s0 =	sadd.s32 @!p0 $0x100000, s0;
	[bflag:$0x2] =	sbarrier.arrive $0xFFFF  }
0x53: {  	[sflag:s0] =	ssyncadd.tile.s32 @!p0 $0x1;
	_ =	shalt  }
.Lfunc_end2:
_tile_overlayer_lowered:
.L_overlay_start_2:
0x54: {  	(tag) =	ssettag $0x2  }
0x55: {  	s0 =	rddreg [dreg:$0x0];
	s2 =	stileid.u32  }
0x56: {  	s1 =	rddreg [dreg:$0x1];
	p0 =	sne.s32 s2, $0x0  }
0x57: {  	s3 =	rddreg [dreg:$0x2];
	[bflag:$0x3] =	sbarrier.arrive $0xFFFF;
	s2 =	simm.s32 @!p0 $0x1C02  }
0x58: {  	[timem:s3], [sflag:s2] =	dma.local @!p0 [hbm:s0], s1  }
0x59: {  	s0 =	simm.s32 @!p0 $0x2  }
0x5a: {  	_ =	swait.ge @!p0 [sflag:s0], s1  }
0x5b: {  	s1 =	ssub.s32 @!p0 $0x0, s1;
	[sflag:s0] =	ssyncset.done @!p0 $0x0  }
0x5c: {  	[sflag:s0] =	ssyncadd.s32 @!p0 s1  }
0x5d: {  	[bflag:$0x3] =	sbarrier.arrive $0xFFFF  }
0x5e: {  	_ =	shalt  }

</sc_bundles>
